<compile_context>
chip_gen: v7x
topology: tpu7x:2x2x1
jax: 0.10.2.dev20260603
libtpu: 0.0.44.dev20260713+nightly
codegen_flags: <defaults>
</compile_context>

<pallas_src>
import functools

import jax
import jax.numpy as jnp
from jax import lax
from jax.experimental import pallas as pl
from jax.experimental.pallas import tpu as pltpu
from jax.experimental.pallas import tpu_sc as plsc

_LANES = 16


@functools.cache
def _build_sc_kernel(n: int, num_types: int):
    info = plsc.get_sparse_core_info()
    nc, ns = 1, info.num_subcores
    nw = nc * ns
    chunk = ((n + nw - 1) // nw + _LANES - 1) // _LANES * _LANES
    assert n % 8 == 0 and chunk % 8 == 0 and n >= chunk

    mesh = plsc.VectorSubcoreMesh(
        core_axis_name="c", subcore_axis_name="s", num_cores=1)

    @functools.partial(
        pl.kernel,
        mesh=mesh,
        out_type=jax.ShapeDtypeStruct((n,), jnp.float32),
        compiler_params=pltpu.CompilerParams(
            needs_layout_passes=False,
            disable_bounds_checks=True,
            disable_semaphore_checks=True,
        ),
        scratch_types=[
            pltpu.VMEM((chunk,), jnp.int32),
            pltpu.VMEM((chunk,), jnp.float32),
            pltpu.VMEM((num_types,), jnp.float32),
            pltpu.SemaphoreType.DMA,
            pltpu.SemaphoreType.DMA,
            pltpu.SemaphoreType.DMA,
        ],
    )
    def sc_kernel(e_hbm, atoms_hbm, refs_hbm, out_hbm, idx_v, e_v, tbl_v,
                  sem_i, sem_e, sem_t):
        wid = lax.axis_index("s") * nc + lax.axis_index("c")
        base = jnp.minimum(wid * chunk, n - chunk)
        base = pl.multiple_of(base, 8)
        cp_t = pltpu.async_copy(refs_hbm, tbl_v, sem_t)
        cp_i = pltpu.async_copy(atoms_hbm.at[pl.ds(base, chunk)], idx_v, sem_i)
        cp_e = pltpu.async_copy(e_hbm.at[pl.ds(base, chunk)], e_v, sem_e)
        cp_t.wait()
        cp_i.wait()
        cp_e.wait()

        @plsc.parallel_loop(0, chunk, _LANES, unroll=16)
        def _(i):
            sl = pl.ds(i, _LANES)
            e_v[sl] = e_v[sl] + plsc.load_gather(tbl_v, [idx_v[sl]])

        pltpu.sync_copy(e_v, out_hbm.at[pl.ds(base, chunk)])

    return sc_kernel


def kernel(atomwise_energies, atoms, atom_refs):
    n, t = atomwise_energies.shape
    num_types = atom_refs.shape[0]
    e_flat = atomwise_energies.reshape(n)
    refs_flat = atom_refs.reshape(num_types)
    out = _build_sc_kernel(n, num_types)(e_flat, atoms, refs_flat)
    return out.reshape(n, t)

# --- scband reference (transcript-rebuilt; emitter-appended) ---
"""Pipeline reference for scband-add-atomic-references-2619930050836 (READ-ONLY COPY).

The authoritative reference and input builder live on the scoring server;
editing this copy changes nothing except your own understanding.
"""

import jax, jax.numpy as jnp
import numpy as np

NUM_NODES = 100000
NUM_ATOM_TYPES = 100
NUM_TARGETS = 1


def setup_inputs(seed: int = 0) -> dict:
    key = jax.random.key(seed)
    k1, k2 = jax.random.split(key, 2)
    atomwise_energies = jax.random.normal(k1, (NUM_NODES, NUM_TARGETS), dtype=jnp.float32)
    atoms = jax.random.randint(k2, (NUM_NODES,), 0, NUM_ATOM_TYPES, dtype=jnp.int32)
    # frozen embedding table of single-atom reference energies [num_atom_types, 1]
    atom_refs = (-0.1 * jnp.arange(NUM_ATOM_TYPES, dtype=jnp.float32)).reshape(NUM_ATOM_TYPES, 1)
    return {"atomwise_energies": atomwise_energies, "atoms": atoms, "atom_refs": atom_refs}


def reference(atomwise_energies, atoms, atom_refs):
    # nn.Embedding lookup: atom_refs(atoms) -> [num_nodes, 1]
    ref = jnp.take(atom_refs, atoms, axis=0)
    if atomwise_energies.ndim == 2 and atomwise_energies.shape[-1] == 2:
        # in-place add to column 0 only (special two-target case)
        return atomwise_energies.at[:, 0].add(ref[:, 0])
    else:
        return atomwise_energies + ref

if __name__ == "__main__":
    import jax
    _d = setup_inputs()
    print(jax.jit(kernel)(*tuple(_d.values())))

</pallas_src>

<mosaic_0001>
#map = affine_map<(d0, d1) -> (0)>
module attributes {stable_mosaic.version = 14 : i64} {
  func.func @sc_kernel(%arg0: i32, %arg1: i32, %arg2: memref<100000xf32, #tpu.memory_space<hbm>>, %arg3: memref<100000xi32, #tpu.memory_space<hbm>>, %arg4: memref<100xf32, #tpu.memory_space<hbm>>, %arg5: memref<100000xf32, #tpu.memory_space<hbm>>, %arg6: memref<6256xi32, #tpu.memory_space<vmem>>, %arg7: memref<6256xf32, #tpu.memory_space<vmem>>, %arg8: memref<100xf32, #tpu.memory_space<vmem>>, %arg9: memref<!tpu.dma_semaphore, #tpu.memory_space<semaphore_mem>>, %arg10: memref<!tpu.dma_semaphore, #tpu.memory_space<semaphore_mem>>, %arg11: memref<!tpu.dma_semaphore, #tpu.memory_space<semaphore_mem>>) attributes {dimension_semantics = [#tpu.dimension_semantics<core_parallel>, #tpu.dimension_semantics<subcore_parallel>], iteration_bounds = array<i64: 1, 16>, scalar_prefetch = 0 : i64, scratch_operands = 6 : i64, tpu.core_type = #tpu.core_type<sc_vector_subcore>, window_params = [{transform_indices = #map}, {transform_indices = #map}, {transform_indices = #map}, {transform_indices = #map}]} {
    %mul3A = arith.constant 1 : i32
    %mul3A_0 = arith.muli %arg1, %mul3A : i32
    %add3A = arith.addi %mul3A_0, %arg0 : i32
    %mul3A_1 = arith.constant 6256 : i32
    %mul3A_2 = arith.muli %add3A, %mul3A_1 : i32
    %min3A = arith.constant 93744 : i32
    %min3A_3 = arith.minsi %mul3A_2, %min3A : i32
    %multiple_of3A = tpu.assume_multiple %min3A_3, 8 : i32
    tpu.enqueue_dma source(%arg4 : memref<100xf32, #tpu.memory_space<hbm>>) target(%arg8 : memref<100xf32, #tpu.memory_space<vmem>>) target_semaphore(%arg11 : memref<!tpu.dma_semaphore, #tpu.memory_space<semaphore_mem>>)
    %dma_start3A = tpu.memref_slice %arg3[%multiple_of3A] : memref<100000xi32, #tpu.memory_space<hbm>> -> memref<6256xi32, #tpu.memory_space<hbm>>
    %dma_start3A_4 = tpu.memref_slice %arg3[%multiple_of3A] : memref<100000xi32, #tpu.memory_space<hbm>> -> memref<6256xi32, #tpu.memory_space<hbm>>
    tpu.enqueue_dma source(%dma_start3A_4 : memref<6256xi32, #tpu.memory_space<hbm>>) target(%arg6 : memref<6256xi32, #tpu.memory_space<vmem>>) target_semaphore(%arg9 : memref<!tpu.dma_semaphore, #tpu.memory_space<semaphore_mem>>)
    %dma_start3A_5 = tpu.memref_slice %arg2[%multiple_of3A] : memref<100000xf32, #tpu.memory_space<hbm>> -> memref<6256xf32, #tpu.memory_space<hbm>>
    %dma_start3A_6 = tpu.memref_slice %arg2[%multiple_of3A] : memref<100000xf32, #tpu.memory_space<hbm>> -> memref<6256xf32, #tpu.memory_space<hbm>>
    tpu.enqueue_dma source(%dma_start3A_6 : memref<6256xf32, #tpu.memory_space<hbm>>) target(%arg7 : memref<6256xf32, #tpu.memory_space<vmem>>) target_semaphore(%arg10 : memref<!tpu.dma_semaphore, #tpu.memory_space<semaphore_mem>>)
    tpu.wait_dma2 semaphore(%arg11 : memref<!tpu.dma_semaphore, #tpu.memory_space<semaphore_mem>>) src(%arg4 : memref<100xf32, #tpu.memory_space<hbm>>) dst(%arg8 : memref<100xf32, #tpu.memory_space<vmem>>)
    %dma_wait3A = tpu.memref_slice %arg3[%multiple_of3A] : memref<100000xi32, #tpu.memory_space<hbm>> -> memref<6256xi32, #tpu.memory_space<hbm>>
    %dma_wait3A_7 = tpu.memref_slice %arg3[%multiple_of3A] : memref<100000xi32, #tpu.memory_space<hbm>> -> memref<6256xi32, #tpu.memory_space<hbm>>
    tpu.wait_dma2 semaphore(%arg9 : memref<!tpu.dma_semaphore, #tpu.memory_space<semaphore_mem>>) src(%dma_wait3A_7 : memref<6256xi32, #tpu.memory_space<hbm>>) dst(%arg6 : memref<6256xi32, #tpu.memory_space<vmem>>)
    %dma_wait3A_8 = tpu.memref_slice %arg2[%multiple_of3A] : memref<100000xf32, #tpu.memory_space<hbm>> -> memref<6256xf32, #tpu.memory_space<hbm>>
    %dma_wait3A_9 = tpu.memref_slice %arg2[%multiple_of3A] : memref<100000xf32, #tpu.memory_space<hbm>> -> memref<6256xf32, #tpu.memory_space<hbm>>
    tpu.wait_dma2 semaphore(%arg10 : memref<!tpu.dma_semaphore, #tpu.memory_space<semaphore_mem>>) src(%dma_wait3A_9 : memref<6256xf32, #tpu.memory_space<hbm>>) dst(%arg7 : memref<6256xf32, #tpu.memory_space<vmem>>)
    %parallel_loop3A = arith.constant 0 : i32
    %parallel_loop3A_10 = arith.constant 6256 : i32
    %parallel_loop3A_11 = arith.constant 16 : i32
    scf.for %parallel_loop3A_12 = %parallel_loop3A to %parallel_loop3A_10 step %parallel_loop3A_11  : i32 {
      %parallel_loop3A_13 = arith.index_cast %parallel_loop3A_12 : i32 to index
      %parallel_loop3A_14 = tpu.vector_load %arg7[%parallel_loop3A_13] {strides = array<i32>} : memref<6256xf32, #tpu.memory_space<vmem>>, vector<16xf32>,
      %parallel_loop3A_15 = arith.index_cast %parallel_loop3A_12 : i32 to index
      %parallel_loop3A_16 = tpu.vector_load %arg6[%parallel_loop3A_15] {strides = array<i32>} : memref<6256xi32, #tpu.memory_space<vmem>>, vector<16xi32>,
      %parallel_loop3A_17 = tpu.vector_load_idx %arg8[%parallel_loop3A_16] : memref<100xf32, #tpu.memory_space<vmem>>[vector<16xi32>], vector<16xf32>,
      %parallel_loop3A_18 = arith.addf %parallel_loop3A_14, %parallel_loop3A_17 : vector<16xf32>
      %parallel_loop3A_19 = arith.index_cast %parallel_loop3A_12 : i32 to index
      %parallel_loop3A_20 = tpu.vector_load %arg7[%parallel_loop3A_19] {strides = array<i32>} : memref<6256xf32, #tpu.memory_space<vmem>>, vector<16xf32>,
      tpu.vector_store %arg7[%parallel_loop3A_19], %parallel_loop3A_18 {strides = array<i32>} : memref<6256xf32, #tpu.memory_space<vmem>>, vector<16xf32>,
    } {sc.loop_unroll_factor = 16 : i64, sc.parallel_access}
    "tpu.region"() ({
      %run_scoped3A = tpu.sem_alloc : memref<!tpu.dma_semaphore, #tpu.memory_space<semaphore_mem>>
      %dma_start3A_12 = tpu.memref_slice %arg5[%multiple_of3A] : memref<100000xf32, #tpu.memory_space<hbm>> -> memref<6256xf32, #tpu.memory_space<hbm>>
      %dma_start3A_13 = tpu.memref_slice %arg5[%multiple_of3A] : memref<100000xf32, #tpu.memory_space<hbm>> -> memref<6256xf32, #tpu.memory_space<hbm>>
      tpu.enqueue_dma source(%arg7 : memref<6256xf32, #tpu.memory_space<vmem>>) target(%dma_start3A_13 : memref<6256xf32, #tpu.memory_space<hbm>>) target_semaphore(%run_scoped3A : memref<!tpu.dma_semaphore, #tpu.memory_space<semaphore_mem>>)
      %dma_wait3A_14 = tpu.memref_slice %arg5[%multiple_of3A] : memref<100000xf32, #tpu.memory_space<hbm>> -> memref<6256xf32, #tpu.memory_space<hbm>>
      %dma_wait3A_15 = tpu.memref_slice %arg5[%multiple_of3A] : memref<100000xf32, #tpu.memory_space<hbm>> -> memref<6256xf32, #tpu.memory_space<hbm>>
      tpu.wait_dma2 semaphore(%run_scoped3A : memref<!tpu.dma_semaphore, #tpu.memory_space<semaphore_mem>>) src(%arg7 : memref<6256xf32, #tpu.memory_space<vmem>>) dst(%dma_wait3A_15 : memref<6256xf32, #tpu.memory_space<hbm>>)
      tpu.yield
    }) : () -> ()
    return
  }
}

</mosaic_0001>

<sc_bundles>
// kernel: kernel.3.cloned.1.call-start
scs
__scs_entry_jumppad:
0x0: {  	(pc) =	sbr.rel $0x88, $3  }
0x1: {  	(tag) =	ssettag $0x0;
	lr =	simm.s32 $0x1  }
0x2: {  	[smem:$0x3F9E] =	sst lr;
	_ =	strace $0xD0000000  }
0x3: {  	_ = 	snop  }
0x4: {  	_ = 	snop  }
0x5: {  	_ = 	snop  }
0x6: {  	_ = 	snop  }
0x7: {  	_ = 	snop  }
__scs_overlays_trampoline_lowered:
0x8: {  	[smem:$0x3FAD] =	sst s0  }
0x9: {  	[smem:$0x3FAE] =	sst s1  }
0xa: {  	[smem:$0x3FAF] =	sst s2  }
0xb: {  	[smem:$0x3FB0] =	sst s3  }
0xc: {  	[smem:$0x3FB1] =	sst s4  }
0xd: {  	[smem:$0x3FB2] =	sst s5  }
0xe: {  	[smem:$0x3FB3] =	sst s6  }
0xf: {  	[smem:$0x3FB4] =	sst s7  }
0x10: {  	[smem:$0x3FB5] =	sst s8  }
0x11: {  	[smem:$0x3FB6] =	sst s9;
	s0 =	simm.s32 @!p0 $0x0  }
0x12: {  	s1 =	sld [smem:$0x3F9C];
	s0 =	simm.s32 @p0 $0x1  }
0x13: {  	[smem:$0x3FB7] =	sst s0;
	s0 =	simm.s32 @!p1 $0x0  }
0x14: {  	s2 =	sld [smem:$0x3F9B];
	s0 =	simm.s32 @p1 $0x1  }
0x15: {  	[smem:$0x3FB8] =	sst s0;
	s0 =	simm.s32 @!p2 $0x0  }
0x16: {  	s3 =	sld [smem:$0x3FDB];
	s0 =	simm.s32 @p2 $0x1  }
0x17: {  	s4 =	simm.s32 $0x1BF5;
	[smem:$0x3FBA] =	sst s0  }
0x18: {  	s0 =	sld [smem:$0x3F9D];
	_ =	swait.ge [sflag:s4], $0x0  }
0x19: {  	s7 =	sld [smem:$0x3F9E]  }
0x1a: {  	s8 =	sadd.s32 $0xFFFFE003, lr  }
0x1b: {  	s9 =	sadd.s32 $0xFFFFFEF7, lr;
	s5 =	simm.s32 $0xFFFFFFFF;
	p2 =	slt.u32 s8, $0xFFFFF086  }
0x1c: {  	p1 =	slt.u32 s9, $0xF7A;
	s5 =	simm.s32 @!p2 $0x0  }
0x1d: {  	s5 =	simm.s32 @p1 $0x1;
	p0 =	seq.s32 s7, s2  }
0x1e: {  	s7 =	smul.u32 @!p0 $0xF7A, s2;
	p2 =	seq.s32 @!p0 s5, $0x0  }
0x1f: {  	s9 =	smul.u32 $0xF7A, s1;
	s8 =	simm.s32 @!p0 $0x1BF5;
	p2 =	por !p2, p0  }
0x20: {  	[sflag:s8] =	ssyncset.s32 @!p0 $0xFFFFF086;
	s6 =	sadd.s32 @!p0 s3, s7;
	s7 =	simm.s32 @!p0 $0x108  }
0x21: {  	s3 =	sadd.s32 s3, s9;
	s6 =	sadd.s32 @!p0 $0x88, s6;
	s7 =	simm.s32 @p2 $0x1082  }
0x22: {  	[simem:s7], [sflag:s8] =	dma.local @!p0 [hbm:s6], $0xF7A  }
0x23: {  	s9 =	sor.u32 $0xD0000000, s2;
	s6 =	simm.s32 $0x108;
	_ =	swait.ge @!p0 [sflag:s8], $0x0  }
0x24: {  	s3 =	sadd.s32 $0x88, s3;
	s6 =	simm.s32 @!p1 $0x1082;
	[sflag:s4] =	ssyncset.s32 $0xFFFFF086  }
0x25: {  	[simem:s6], [sflag:s4] =	dma.local [hbm:s3], $0xF7A  }
0x26: {  	[smem:$0x3F9E] =	sst s1;
	(tag) =	ssettag s2;
	_ =	strace s9  }
0x27: {  	s1 =	sld [smem:$0x3FAE]  }
0x28: {  	s2 =	sld [smem:$0x3FAF]  }
0x29: {  	s4 =	sld [smem:$0x3FB1]  }
0x2a: {  	p0 =	seq.s32 s5, $0x0;
	s5 =	sld [smem:$0x3FB2]  }
0x2b: {  	s6 =	sld [smem:$0x3FB3]  }
0x2c: {  	s7 =	sld [smem:$0x3FB4]  }
0x2d: {  	s3 =	simm.s32 $0x108;
	s8 =	sld [smem:$0x3FB5]  }
0x2e: {  	s3 =	simm.s32 @!p0 $0x1082;
	s9 =	sld [smem:$0x3FB6]  }
0x2f: {  	lr =	sadd.s32 s0, s3;
	s0 =	sld [smem:$0x3FAD]  }
0x30: {  	s3 =	sld [smem:$0x3FB0]  }
0x31: {  	[smem:$0x3FB9] =	sst s10  }
0x32: {  	s10 =	sld [smem:$0x3FB7];
	_ =	sdelay $0x3  }
0x33: {  	p0 =	seq.s32 s10, $0x1;
	s10 =	sld [smem:$0x3FB9];
	_ =	sdelay $0x3  }
0x34: {  	[smem:$0x3FB9] =	sst s10  }
0x35: {  	s10 =	sld [smem:$0x3FB8];
	_ =	sdelay $0x3  }
0x36: {  	p1 =	seq.s32 s10, $0x1;
	s10 =	sld [smem:$0x3FB9];
	_ =	sdelay $0x3  }
0x37: {  	[smem:$0x3FB9] =	sst s10  }
0x38: {  	s10 =	sld [smem:$0x3FBA]  }
0x39: {  	_ = 	snop;
	(pc) =	sbr.ind lr, $3  }
0x3a: {  	_ = 	snop  }
0x3b: {  	_ = 	snop  }
0x3c: {  	p2 =	seq.s32 s10, $0x1;
	s10 =	sld [smem:$0x3FB9]  }
0x3d: {  	_ =	shalt  }
0x3e: {  	_ =	shalt  }
0x3f: {  	_ =	shalt  }
0x40: {  	_ =	shalt  }
0x41: {  	_ =	shalt  }
0x42: {  	_ =	shalt  }
0x43: {  	_ =	shalt  }
0x44: {  	_ =	shalt  }
0x45: {  	_ =	shalt  }
0x46: {  	_ =	shalt  }
0x47: {  	_ =	shalt  }
0x48: {  	_ =	shalt  }
0x49: {  	_ =	shalt  }
0x4a: {  	_ =	shalt  }
0x4b: {  	_ =	shalt  }
0x4c: {  	_ =	shalt  }
0x4d: {  	_ =	shalt  }
0x4e: {  	_ =	shalt  }
0x4f: {  	_ =	shalt  }
0x50: {  	_ =	shalt  }
0x51: {  	_ =	shalt  }
0x52: {  	_ =	shalt  }
0x53: {  	_ =	shalt  }
0x54: {  	_ =	shalt  }
0x55: {  	_ =	shalt  }
0x56: {  	_ =	shalt  }
0x57: {  	_ =	shalt  }
0x58: {  	_ =	shalt  }
0x59: {  	_ =	shalt  }
0x5a: {  	_ =	shalt  }
0x5b: {  	_ =	shalt  }
0x5c: {  	_ =	shalt  }
0x5d: {  	_ =	shalt  }
0x5e: {  	_ =	shalt  }
0x5f: {  	_ =	shalt  }
0x60: {  	_ =	shalt  }
0x61: {  	_ =	shalt  }
0x62: {  	_ =	shalt  }
0x63: {  	_ =	shalt  }
0x64: {  	_ =	shalt  }
0x65: {  	_ =	shalt  }
0x66: {  	_ =	shalt  }
0x67: {  	_ =	shalt  }
0x68: {  	_ =	shalt  }
0x69: {  	_ =	shalt  }
0x6a: {  	_ =	shalt  }
0x6b: {  	_ =	shalt  }
0x6c: {  	_ =	shalt  }
0x6d: {  	_ =	shalt  }
0x6e: {  	_ =	shalt  }
0x6f: {  	_ =	shalt  }
0x70: {  	_ =	shalt  }
0x71: {  	_ =	shalt  }
0x72: {  	_ =	shalt  }
0x73: {  	_ =	shalt  }
0x74: {  	_ =	shalt  }
0x75: {  	_ =	shalt  }
0x76: {  	_ =	shalt  }
0x77: {  	_ =	shalt  }
0x78: {  	_ =	shalt  }
0x79: {  	_ =	shalt  }
0x7a: {  	_ =	shalt  }
0x7b: {  	_ =	shalt  }
0x7c: {  	_ =	shalt  }
0x7d: {  	_ =	shalt  }
0x7e: {  	_ =	shalt  }
0x7f: {  	_ =	shalt  }
0x80: {  	_ =	shalt  }
0x81: {  	_ =	shalt  }
0x82: {  	_ =	shalt  }
0x83: {  	_ =	shalt  }
0x84: {  	_ =	shalt  }
0x85: {  	_ =	shalt  }
0x86: {  	_ =	shalt  }
0x87: {  	_ =	shalt  }
.Lfunc_end0:
.L_simem_size_0:
called_computation_lowered:
.L_overlay_start_0:
0x88: {  	s0 =	sld [smem:$0x3FD9]  }
0x89: {  	s1 =	sld [smem:$0x3FFE];
	_ =	sdelay $0x3  }
0x8a: {  	s0 =	sadd.s32 s1, s0  }
0x8b: {  	[smem:$0x3FC5] =	sst s0  }
0x8c: {  	_ = 	snop  }
0x8d: {  	s0 =	sld [smem:$0x3FC8]  }
0x8e: {  	s16 =	sld [smem:$0x3FC7];
	(tm) =	ssettm $0x1  }
0x8f: {  	s2 =	sld [smem:$0x3FFB];
	_ =	sdelay $0x3  }
0x90: {  	_ =	strace s2  }
0x91: {  	s2 =	sld [smem:$0x3FFC];
	_ =	sdelay $0x3  }
0x92: {  	_ =	strace s2  }
0x93: {  	s2 =	sld [smem:$0x3FFD];
	_ =	sdelay $0x3  }
0x94: {  	_ =	strace s2  }
0x95: {  	_ =	strace $0x8FFFFFFF  }
0x96: {  	s17 =	sld [smem:$0x3FDB];
	_ =	sdelay $0x1  }
0x97: {  	s3 =	simm.s32 $_scs_section_size  }
0x98: {  	s4 =	simm.s32 $_size__tile_overlayer_lowered;
	s5 =	simm.s32 $_tile_overlayer_lowered  }
0x99: {  	s20 =	simm.s32 $0x1BFF;
	s19 =	sshll.u32 s5, $0x1;
	s2 =	sadd.s32 s3, s17  }
0x9a: {  	s6 =	simm.s32 $0x0;
	s18 =	sshll.u32 s4, $0x1;
	s4 =	sadd.s32 s19, s2  }
0x9b: {  	[timem:s6], [sflag:s20] =	dma.local [hbm:s4], s18  }
0x9c: {  	_ =	swait.ge [sflag:s20], s18  }
0x9d: {  	s3 =	ssub.s32 $0x0, s18;
	[sflag:s20] =	ssyncset.done $0x0  }
0x9e: {  	[sflag:s20] =	ssyncadd.s32 s3;
	_ =	sdelay $0x1  }
0x9f: {  	s21 =	simm.s32 $0x1B8B  }
0xa0: {  	_ =	swait.ge [sflag:s21], $0x1  }
0xa1: {  	[sflag:s21] =	ssyncset.done $0x0  }
0xa2: {  	s23 =	simm.s32 $0x1B8E;
	s22 =	sld [smem:$0x3FFE];
	[sflag:s21] =	ssyncadd.s32 $0xFFFFFFFF  }
0xa3: {  	s24 =	simm.s32 $execute0_lowered;
	[smem:$0x3FD2] =	sst s23  }
0xa4: {  	s4 =	sshll.u32 s24, $0x1;
	_ =	strace $0x80000046;
	[dreg:$0x1] =	wrdreg $0xFFFFFFFF  }
0xa5: {  	s25 =	simm.s32 $_size_execute0_lowered;
	s2 =	sadd.s32 s2, s4;
	[dreg:$0x0] =	wrdreg $0x0  }
0xa6: {  	s4 =	sshll.u32 s25, $0x1;
	[dreg:$0x2] =	wrdreg s2  }
0xa7: {  	[dreg:$0x3] =	wrdreg s4  }
0xa8: {  	[dreg:$0x4] =	wrdreg $0xC0  }
0xa9: {  	_ =	task [dreg:s6], $0x5FFFF  }
0xaa: {  	[dreg:$0x1] =	wrdreg $0xFFFFFFFF  }
0xab: {  	[dreg:$0x0] =	wrdreg $0x60  }
0xac: {  	[dreg:$0x2] =	wrdreg s22  }
0xad: {  	[dreg:$0x3] =	wrdreg s0  }
0xae: {  	[dreg:$0x4] =	wrdreg s16  }
0xaf: {  	[dreg:$0x5] =	wrdreg $0x9  }
0xb0: {  	_ =	task.clear_ibuf [dreg:s6], $0x6FFFF;
	_ =	strace $0x90000046  }
0xb1: {  	s26 =	simm.s32 $0x9;
	_ =	strace $0x80000048  }
0xb2: {  	_ =	swait.ge [sflag:s26], $0x1  }
0xb3: {  	[sflag:s26] =	ssyncadd.s32 $0xFFFFFFFF  }
0xb4: {  	_ =	strace $0x90000048  }
0xb5: {  	_ =	sfence  }
0xb6: {  	s28 =	sld [smem:$0x0];
	_ =	sdelay $0x1  }
0xb7: {  	s29 =	srdreg.scid  }
0xb8: {  	s30 =	sshll.u32 s29, $0xD;
	s31 =	sshrl.u32 s29, $0x2  }
0xb9: {  	s1 =	sand.u32 $0x1, s29;
	s2 =	sand.u32 $0x4000, s30;
	s0 =	sadd.s32 s31, s28  }
0xba: {  	s1 =	sor.u32 s2, s1;
	s0 =	sshll.u32 s0, $0x11  }
0xbb: {  	s0 =	sor.u32 s0, s1  }
0xbc: {  	s0 =	sadd.s32 $0x8F2B, s0  }
0xbd: {  	[sflag:s0] =	ssyncadd.remote.s32 $0x1  }
0xbe: {  	_ =	sfence.sel $0xFFFF  }
0xbf: {  	[dreg:$0x0] =	wrdreg $0xFFFFFFFF;
	(pc) =	sbr.abs _section_cstart, $3  }
0xc0: {  	[dreg:$0x1] =	wrdreg $0xFFFFFFFF  }
0xc1: {  	_ =	task.clear_ibuf [dreg:s6], $0x2FFFF;
	_ =	strace $0x9FFFFFFF  }
0xc2: {  	(tm) =	ssettm $0x7FFFFFFF  }
0xc3: {  	_ =	shalt  }
tec
execute0_lowered:
.L_overlay_start_1:
0x0: {  	(tag) =	ssettag $0x1  }
0x1: {  	s5 =	rddreg [dreg:$0x0]  }
0x2: {  	s4 =	rddreg [dreg:$0x1]  }
0x3: {  	s0 =	stileid.u32;
	s6 =	rddreg [dreg:$0x2]  }
0x4: {  	s1 =	rddreg [dreg:$0x3];
	s7 =	simm.s32 $0x0;
	s2 =	smul.u32 $0x1870, s0  }
0x5: {  	[smem:$0x7FF] =	sst s7  }
0x6: {  	s3 =	simm.s32 $0x3100;
	_ =	strace $0x80000047;
	s2 =	smin.u32 s2, $0x16E30  }
0x7: {  	[tilespmem:s3], [sflag:$0x3] =	stream.linear.gather [hbm4b:s6+s7], $0x80, $0x38;
	[tilespmem:$0x3180] =	vst v63  }
0x8: {  	s2 =	sshrl.u32 s2, $0x3  }
0x9: {  	s4 =	sadd.s32 s4, s2  }
0xa: {  	[tilespmem:s7], [sflag:$0x1] =	stream.linear.gather [hbm4b:s4+s7], $0x1870, $0x38;
	[tilespmem:$0x3180] =	vst v63  }
0xb: {  	s26 =	simm.s32 $0x1880;
	s28 =	simm.s32 $0x3;
	s25 =	sadd.s32 s5, s2  }
0xc: {  	[tilespmem:s26], [sflag:$0x2] =	stream.linear.gather [hbm4b:s25+s7], $0x1870, $0x38;
	[tilespmem:$0x3180] =	vst v63  }
0xd: {  	_ =	swait.ge [sflag:s28], $0x80  }
0xe: {  	[sflag:s28] =	ssyncset.done $0x0  }
0xf: {  	s29 =	simm.s32 $0x1;
	[sflag:s28] =	ssyncadd.s32 $0xFFFFFF80  }
0x10: {  	_ =	swait.ge [sflag:s29], $0x1870  }
0x11: {  	[sflag:s29] =	ssyncset.done $0x0  }
0x12: {  	s30 =	simm.s32 $0x2;
	[sflag:s29] =	ssyncadd.s32 $0xFFFFE790  }
0x13: {  	_ =	swait.ge [sflag:s30], $0x1870  }
0x14: {  	[sflag:s30] =	ssyncset.done $0x0  }
0x15: {  	s31 =	simm.s32 $0x80;
	[sflag:s30] =	ssyncadd.s32 $0xFFFFE790  }
0x16: {  	v0 =	vld [tilespmem:s31+$0x70]  }
0x17: {  	v1 =	vld [tilespmem:s31+$0xFFFFFF80]  }
0x18: {  	v2 =	vld [tilespmem:s31+$0xFFFFFF90]  }
0x19: {  	v3 =	vld [tilespmem:s31+$0xFFFFFFA0]  }
0x1a: {  	v4 =	vld [tilespmem:s31+$0xFFFFFFB0]  }
0x1b: {  	v5 =	vld [tilespmem:s31+$0xFFFFFFC0]  }
0x1c: {  	v6 =	vld [tilespmem:s31+$0xFFFFFFD0]  }
0x1d: {  	s4 =	simm.s32 $0x1900;
	v7 =	vld [tilespmem:s31+$0xFFFFFFE0]  }
0x1e: {  	v9 =	vld [tilespmem:s4+$0x70]  }
0x1f: {  	v10 =	vld [tilespmem:s31+$0xFFFFFFF0]  }
0x20: {  	v11 =	vld [tilespmem:s31+$0x0]  }
0x21: {  	v12 =	vld [tilespmem:s31+$0x10]  }
0x22: {  	v13 =	vld [tilespmem:s31+$0x20]  }
0x23: {  	v14 =	vld [tilespmem:s31+$0x30]  }
0x24: {  	v15 =	vld [tilespmem:s31+$0x40]  }
0x25: {  	v16 =	vld [tilespmem:s31+$0x50]  }
0x26: {  	v17 =	vld [tilespmem:s31+$0x60]  }
0x27: {  	v54 =	vld [tilespmem:s4+$0xFFFFFF90]  }
0x28: {  	v55 =	vld [tilespmem:s4+$0xFFFFFFA0]  }
0x29: {  	v56 =	vld [tilespmem:s4+$0xFFFFFFB0]  }
0x2a: {  	v57 =	vld [tilespmem:s4+$0xFFFFFFC0]  }
0x2b: {  	v58 =	vld [tilespmem:s4+$0xFFFFFFE0]  }
0x2c: {  	v59 =	vld [tilespmem:s4+$0xFFFFFFF0]  }
0x2d: {  	v61 =	vld [tilespmem:s4+$0x0]  }
0x2e: {  	v62 =	vld [tilespmem:s4+$0x10]  }
0x2f: {  	v63 =	vld [tilespmem:s4+$0x20]  }
0x30: {  	v8 =	vld.idx.msk [tilespmem:v0+s3+$0x0], $0xffff  }
0x31: {  	v0 =	vld.idx.msk [tilespmem:v1+s3+$0x0], $0xffff  }
0x32: {  	v18 =	vld.idx.msk [tilespmem:v2+s3+$0x0], $0xffff  }
0x33: {  	v19 =	vld.idx.msk [tilespmem:v3+s3+$0x0], $0xffff  }
0x34: {  	v20 =	vld.idx.msk [tilespmem:v4+s3+$0x0], $0xffff  }
0x35: {  	v5 =	vld.idx.msk [tilespmem:v5+s3+$0x0], $0xffff  }
0x36: {  	v6 =	vld.idx.msk [tilespmem:v6+s3+$0x0], $0xffff  }
0x37: {  	v7 =	vld.idx.msk [tilespmem:v7+s3+$0x0], $0xffff  }
0x38: {  	v10 =	vld.idx.msk [tilespmem:v10+s3+$0x0], $0xffff  }
0x39: {  	v11 =	vld.idx.msk [tilespmem:v11+s3+$0x0], $0xffff  }
0x3a: {  	v12 =	vld.idx.msk [tilespmem:v12+s3+$0x0], $0xffff  }
0x3b: {  	v8 =	vadd.f32 v8, v9;
	v9 =	vld [tilespmem:s4+$0xFFFFFFD0]  }
0x3c: {  	v4 =	vld.idx.msk [tilespmem:v14+s3+$0x0], $0xffff;
	v14 =	vadd.f32 v18, v54  }
0x3d: {  	v13 =	vld.idx.msk [tilespmem:v13+s3+$0x0], $0xffff;
	v60 =	vadd.f32 v20, v56;
	[tilespmem:s4+$0x70] =	vst v8  }
0x3e: {  	v3 =	vld.idx.msk [tilespmem:v15+s3+$0x0], $0xffff;
	v5 =	vadd.f32 v5, v57;
	[tilespmem:s4+$0xFFFFFF90] =	vst v14  }
0x3f: {  	v2 =	vld.idx.msk [tilespmem:v16+s3+$0x0], $0xffff;
	v8 =	vadd.f32 v19, v55;
	[tilespmem:s4+$0xFFFFFFB0] =	vst v60  }
0x40: {  	v1 =	vld.idx.msk [tilespmem:v17+s3+$0x0], $0xffff;
	[tilespmem:s4+$0xFFFFFFC0] =	vst v5;
	v6 =	vadd.f32 v6, v9  }
0x41: {  	v7 =	vadd.f32 v7, v58;
	v5 =	vld [tilespmem:s4+$0x30];
	[tilespmem:s4+$0xFFFFFFA0] =	vst v8  }
0x42: {  	v8 =	vadd.f32 v10, v59;
	[tilespmem:s4+$0xFFFFFFD0] =	vst v6;
	v6 =	vld [tilespmem:s4+$0x40]  }
0x43: {  	v11 =	vadd.f32 v11, v61;
	[tilespmem:s4+$0xFFFFFFE0] =	vst v7;
	v7 =	vld [tilespmem:s4+$0x50]  }
0x44: {  	v10 =	vadd.f32 v12, v62;
	[tilespmem:s4+$0xFFFFFFF0] =	vst v8;
	v8 =	vld [tilespmem:s4+$0x60]  }
0x45: {  	s6 =	simm.s32 $0x0;
	s5 =	sadd.s32 $0x3200, s5;
	s7 =	simm.s32 $0x180;
	[tilespmem:s4+$0x0] =	vst v11;
	v11 =	vadd.f32 v13, v63;
	v9 =	vld [tilespmem:s4+$0xFFFFFF80]  }
.LBB2_1:
0x46: {  	v12 =	vld [tilespmem:s7+$0x70];
	s6 =	sadd.s32 $0x100, s6;
	[tilespmem:s4+$0x10] =	vst v10;
	v4 =	vadd.f32 v4, v5  }
0x47: {  	v5 =	vld [tilespmem:s7+$0xFFFFFF80];
	p0 =	slt.u32 s6, $0x1700;
	[tilespmem:s4+$0x20] =	vst v11;
	v3 =	vadd.f32 v3, v6  }
0x48: {  	v6 =	vld [tilespmem:s7+$0xFFFFFF90];
	[tilespmem:s4+$0x30] =	vst v4;
	v2 =	vadd.f32 v2, v7  }
0x49: {  	v4 =	vld [tilespmem:s7+$0xFFFFFFA0];
	[tilespmem:s4+$0x40] =	vst v3;
	v1 =	vadd.f32 v1, v8  }
0x4a: {  	v3 =	vld [tilespmem:s7+$0xFFFFFFB0];
	v0 =	vadd.f32 v0, v9;
	[tilespmem:s4+$0x50] =	vst v2  }
0x4b: {  	v2 =	vld [tilespmem:s7+$0xFFFFFFC0];
	[tilespmem:s4+$0x60] =	vst v1  }
0x4c: {  	v1 =	vld [tilespmem:s7+$0xFFFFFFD0];
	[tilespmem:s4+$0xFFFFFF80] =	vst v0  }
0x4d: {  	v7 =	vld [tilespmem:s7+$0xFFFFFFE0]  }
0x4e: {  	s4 =	sadd.s32 $0x100, s4;
	v0 =	vld.idx.msk [tilespmem:v12+s3+$0x0], $0xffff  }
0x4f: {  	v8 =	vld [tilespmem:s4+$0x70]  }
0x50: {  	v9 =	vld [tilespmem:s7+$0xFFFFFFF0]  }
0x51: {  	v10 =	vld [tilespmem:s7+$0x0]  }
0x52: {  	v11 =	vld [tilespmem:s7+$0x10]  }
0x53: {  	v12 =	vld [tilespmem:s7+$0x20]  }
0x54: {  	v13 =	vld [tilespmem:s7+$0x30];
	v0 =	vadd.f32 v0, v8  }
0x55: {  	v8 =	vld [tilespmem:s7+$0x40]  }
0x56: {  	v14 =	vld [tilespmem:s7+$0x50];
	[tilespmem:s4+$0x70] =	vst v0  }
0x57: {  	v15 =	vld [tilespmem:s7+$0x60]  }
0x58: {  	v0 =	vld.idx.msk [tilespmem:v5+s3+$0x0], $0xffff  }
0x59: {  	v5 =	vld.idx.msk [tilespmem:v6+s3+$0x0], $0xffff  }
0x5a: {  	v6 =	vld.idx.msk [tilespmem:v4+s3+$0x0], $0xffff  }
0x5b: {  	v16 =	vld.idx.msk [tilespmem:v3+s3+$0x0], $0xffff  }
0x5c: {  	v17 =	vld.idx.msk [tilespmem:v2+s3+$0x0], $0xffff  }
0x5d: {  	v18 =	vld.idx.msk [tilespmem:v1+s3+$0x0], $0xffff  }
0x5e: {  	v7 =	vld.idx.msk [tilespmem:v7+s3+$0x0], $0xffff  }
0x5f: {  	v9 =	vld.idx.msk [tilespmem:v9+s3+$0x0], $0xffff  }
0x60: {  	v10 =	vld.idx.msk [tilespmem:v10+s3+$0x0], $0xffff  }
0x61: {  	v11 =	vld.idx.msk [tilespmem:v11+s3+$0x0], $0xffff  }
0x62: {  	v12 =	vld.idx.msk [tilespmem:v12+s3+$0x0], $0xffff  }
0x63: {  	v4 =	vld.idx.msk [tilespmem:v13+s3+$0x0], $0xffff  }
0x64: {  	v3 =	vld.idx.msk [tilespmem:v8+s3+$0x0], $0xffff  }
0x65: {  	v2 =	vld.idx.msk [tilespmem:v14+s3+$0x0], $0xffff  }
0x66: {  	v1 =	vld.idx.msk [tilespmem:v15+s3+$0x0], $0xffff  }
0x67: {  	v8 =	vld [tilespmem:s4+$0xFFFFFF90]  }
0x68: {  	v13 =	vld [tilespmem:s4+$0xFFFFFFA0]  }
0x69: {  	v14 =	vld [tilespmem:s4+$0xFFFFFFB0]  }
0x6a: {  	v15 =	vld [tilespmem:s4+$0xFFFFFFC0]  }
0x6b: {  	v19 =	vld [tilespmem:s4+$0xFFFFFFD0]  }
0x6c: {  	v5 =	vadd.f32 v5, v8;
	v8 =	vld [tilespmem:s4+$0xFFFFFFE0]  }
0x6d: {  	v6 =	vadd.f32 v6, v13;
	v13 =	vld [tilespmem:s4+$0xFFFFFFF0]  }
0x6e: {  	[tilespmem:s4+$0xFFFFFF90] =	vst v5;
	v5 =	vadd.f32 v16, v14;
	v14 =	vld [tilespmem:s4+$0x0]  }
0x6f: {  	[tilespmem:s4+$0xFFFFFFA0] =	vst v6;
	v6 =	vadd.f32 v17, v15;
	v15 =	vld [tilespmem:s4+$0x10]  }
0x70: {  	[tilespmem:s4+$0xFFFFFFB0] =	vst v5;
	v16 =	vadd.f32 v18, v19;
	v17 =	vld [tilespmem:s4+$0x20]  }
.Ltmp0:
0x71: {  	[tilespmem:s4+$0xFFFFFFC0] =	vst v6;
	v7 =	vadd.f32 v7, v8;
	v5 =	vld [tilespmem:s4+$0x30];
	(pc) =	sbr.rel @p0 .LBB2_1-.Ltmp0, $4  }
0x72: {  	[tilespmem:s4+$0xFFFFFFD0] =	vst v16;
	v8 =	vadd.f32 v9, v13;
	v6 =	vld [tilespmem:s4+$0x40]  }
0x73: {  	[tilespmem:s4+$0xFFFFFFE0] =	vst v7;
	v13 =	vadd.f32 v10, v14;
	v7 =	vld [tilespmem:s4+$0x50]  }
0x74: {  	[tilespmem:s4+$0xFFFFFFF0] =	vst v8;
	v10 =	vadd.f32 v11, v15;
	v8 =	vld [tilespmem:s4+$0x60]  }
0x75: {  	s7 =	sadd.s32 $0x100, s7;
	v9 =	vld [tilespmem:s4+$0xFFFFFF80];
	[tilespmem:s4+$0x0] =	vst v13;
	v11 =	vadd.f32 v12, v17  }
0x76: {  	[tilespmem:s4+$0x10] =	vst v10;
	v4 =	vadd.f32 v4, v5  }
0x77: {  	[tilespmem:s4+$0x20] =	vst v11;
	v3 =	vadd.f32 v3, v6  }
0x78: {  	[tilespmem:s4+$0x30] =	vst v4;
	v2 =	vadd.f32 v2, v7  }
0x79: {  	[tilespmem:s4+$0x40] =	vst v3;
	v1 =	vadd.f32 v1, v8  }
0x7a: {  	v0 =	vadd.f32 v0, v9;
	[tilespmem:s4+$0x50] =	vst v2  }
0x7b: {  	s3 =	simm.s32 $0x17F0;
	[tilespmem:s4+$0x60] =	vst v1  }
0x7c: {  	s6 =	simm.s32 $0x3080;
	s7 =	simm.s32 $0x3100;
	[tilespmem:s4+$0xFFFFFF80] =	vst v0;
	s4 =	simm.s32 $0x1800  }
.LBB2_3:
0x7d: {  	v0 =	vld [tilespmem:s4+$0x0];
	_ =	sdelay $0x6  }
0x7e: {  	v1 =	vld [tilespmem:s6+$0x0]  }
0x7f: {  	v0 =	vld.idx.msk [tilespmem:v0+s7+$0x0], $0xffff  }
0x80: {  	s3 =	sadd.s32 $0x10, s3  }
0x81: {  	p0 =	slt.u32 s3, $0x1860  }
.Ltmp1:
0x82: {  	_ = 	snop;
	(pc) =	sbr.rel @p0 .LBB2_3-.Ltmp1, $3  }
0x83: {  	_ = 	snop  }
0x84: {  	v0 =	vadd.f32 v0, v1;
	_ =	sdelay $0x1  }
0x85: {  	s4 =	sadd.s32 $0x10, s4;
	[tilespmem:s6+$0x0] =	vst v0;
	s6 =	sadd.s32 $0x10, s6  }
0x86: {  	s2 =	sadd.s32 s5, s2  }
0x87: {  	s3 =	simm.s32 $0x0;
	s4 =	simm.s32 $0x1880;
	s31 =	simm.s32 $0x4  }
0x88: {  	[hbm4b:s2+s3] =	stream.linear.scatter [tilespmem:s4], [sflag:$0x4], $0x1870, $0x38;
	[tilespmem:$0x3180] =	vst v63  }
0x89: {  	_ =	swait.ge [sflag:s31], $0x1870  }
0x8a: {  	[sflag:s31] =	ssyncset.done $0x0  }
0x8b: {  	[sflag:s31] =	ssyncadd.s32 $0xFFFFE790  }
0x8c: {  	_ =	sfence.sel $0x180000  }
0x8d: {  	[bflag:$0x0] =	sbarrier.arrive $0xFFFF  }
0x8e: {  	p0 =	sne.s32 s0, $0x0;
	_ =	strace $0x90000047  }
0x8f: {  	s0 =	sadd.s32 @!p0 $0x100000, s1;
	[bflag:$0x2] =	sbarrier.arrive $0xFFFF  }
0x90: {  	[sflag:s0] =	ssyncadd.tile.s32 @!p0 $0x1;
	_ =	shalt  }
.Lfunc_end2:
_tile_overlayer_lowered:
.L_overlay_start_2:
0x91: {  	(tag) =	ssettag $0x2  }
0x92: {  	s0 =	rddreg [dreg:$0x0];
	s2 =	stileid.u32  }
0x93: {  	s1 =	rddreg [dreg:$0x1];
	p0 =	sne.s32 s2, $0x0  }
0x94: {  	s3 =	rddreg [dreg:$0x2];
	[bflag:$0x3] =	sbarrier.arrive $0xFFFF;
	s2 =	simm.s32 @!p0 $0x1C04  }
0x95: {  	[timem:s3], [sflag:s2] =	dma.local @!p0 [hbm:s0], s1  }
0x96: {  	s0 =	simm.s32 @!p0 $0x4  }
0x97: {  	_ =	swait.ge @!p0 [sflag:s0], s1  }
0x98: {  	s1 =	ssub.s32 @!p0 $0x0, s1;
	[sflag:s0] =	ssyncset.done @!p0 $0x0  }
0x99: {  	[sflag:s0] =	ssyncadd.s32 @!p0 s1  }
0x9a: {  	[bflag:$0x3] =	sbarrier.arrive $0xFFFF  }
0x9b: {  	_ =	shalt  }

</sc_bundles>
